<compile_context>
chip_gen: v7x
topology: tpu7x:2x2x1
jax: 0.10.2.dev20260603
libtpu: 0.0.44.dev20260713+nightly
codegen_flags: <defaults>
</compile_context>

<pallas_src>
import functools

import jax
import jax.numpy as jnp
from jax import lax
from jax.experimental import pallas as pl
from jax.experimental.pallas import tpu as pltpu
from jax.experimental.pallas import tpu_sc as plsc

_LANES = 16
_CW = 128


def _interaction_table_kernel(cw_ref, sw_ref, cb_ref, sb_ref, g_ref):
    v, d = cw_ref.shape
    chunks = g_ref.shape[0] // v
    dn = (((1,), (1,)), ((), ()))
    t = lax.dot_general(cw_ref[...], sw_ref[...], dn,
                        preferred_element_type=jnp.float32,
                        precision=lax.Precision.HIGHEST)
    t = t + cb_ref[...] + sb_ref[...]
    for k in range(chunks):
        g_ref[k * v:(k + 1) * v, :] = t[:, k * _CW:(k + 1) * _CW]


def _build_interaction_table(c_weight, s_weight, c_biase, s_biase):
    v, d = c_weight.shape
    chunks = (v + _CW - 1) // _CW
    steps = 2
    cps = chunks // steps
    return pl.pallas_call(
        _interaction_table_kernel,
        grid=(steps,),
        in_specs=[
            pl.BlockSpec((v, d), lambda j: (0, 0)),
            pl.BlockSpec((cps * _CW, d), lambda j: (j, 0)),
            pl.BlockSpec((v, 1), lambda j: (0, 0)),
            pl.BlockSpec((1, cps * _CW), lambda j: (0, j)),
        ],
        out_specs=pl.BlockSpec((cps * v, _CW), lambda j: (j, 0)),
        out_shape=jax.ShapeDtypeStruct((chunks * v, _CW), jnp.float32),
    )(c_weight, s_weight, c_biase, s_biase.reshape(1, v))


def _make_sc_gather(v, b, num_workers, chunk):
    per_w = b // num_workers
    rows = per_w // chunk
    mesh = plsc.VectorSubcoreMesh(core_axis_name="c", subcore_axis_name="s")

    @functools.partial(
        pl.kernel,
        mesh=mesh,
        out_type=jax.ShapeDtypeStruct((b,), jnp.float32),
        scratch_types=[
            pltpu.VMEM((per_w,), jnp.int32),
            pltpu.VMEM((per_w,), jnp.int32),
            pltpu.VMEM((per_w,), jnp.int32),
            pltpu.VMEM((per_w,), jnp.float32),
            pltpu.SemaphoreType.DMA,
            pltpu.SemaphoreType.DMA,
        ],
    )
    def sc_gather(g_hbm, c_hbm, s_hbm, out_hbm, c_v, s_v, idx_v, val_v,
                  semi, sem):
        wid = lax.axis_index("s") * 2 + lax.axis_index("c")
        base = wid * per_w
        stage = (
            pltpu.async_copy(c_hbm.at[pl.ds(base, per_w)], c_v, semi),
            pltpu.async_copy(s_hbm.at[pl.ds(base, per_w)], s_v, semi),
        )
        for cp in stage:
            cp.wait()

        def idx_body(i, carry):
            sl = pl.ds(i * _LANES, _LANES)
            sv = s_v[sl]
            idx_v[sl] = (
                lax.shift_right_logical(sv, 7) * (_CW * v)
                + lax.shift_left(c_v[sl], 7)
                + (sv & (_CW - 1))
            )
            return carry

        copies = []
        for r in range(rows):
            lax.fori_loop(r * (chunk // _LANES), (r + 1) * (chunk // _LANES),
                          idx_body, 0)
            copies.append(pltpu.async_copy(
                g_hbm.at[idx_v.at[pl.ds(r * chunk, chunk)]],
                val_v.at[pl.ds(r * chunk, chunk)],
                sem,
            ))
        for cp in copies:
            cp.wait()
        pltpu.sync_copy(val_v, out_hbm.at[pl.ds(base, per_w)])

    return sc_gather


def kernel(c, s, c_weight, c_biase, s_weight, s_biase):
    v, _ = c_weight.shape
    b = c.shape[0]

    g = _build_interaction_table(c_weight, s_weight, c_biase, s_biase)
    g_flat = g.reshape(g.shape[0] * _CW)

    out = _make_sc_gather(v, b, 32, 128)(
        g_flat, c.astype(jnp.int32), s.astype(jnp.int32))
    return out.reshape(b, 1)

# --- scband reference (transcript-rebuilt; emitter-appended) ---
"""Pipeline reference for scband-glove-128849018905 (READ-ONLY COPY).

The authoritative reference and input builder live on the scoring server;
editing this copy changes nothing except your own understanding.
"""

import jax, jax.numpy as jnp
import numpy as np

V = 1000
D = 128
B = 16384

def setup_inputs(seed: int = 0) -> dict:
    key = jax.random.key(seed)
    k1, k2, k3, k4, k5, k6 = jax.random.split(key, 6)
    return {
        "c": jax.random.randint(k1, (B,), 0, V),
        "s": jax.random.randint(k2, (B,), 0, V),
        "c_weight": jax.random.normal(k3, (V, D), dtype=jnp.float32) / 100.0,
        "c_biase": jax.random.normal(k4, (V, 1), dtype=jnp.float32) / 100.0,
        "s_weight": jax.random.normal(k5, (V, D), dtype=jnp.float32) / 100.0,
        "s_biase": jax.random.normal(k6, (V, 1), dtype=jnp.float32) / 100.0,
    }

def reference(c, s, c_weight, c_biase, s_weight, s_biase):
    c_w = jnp.take(c_weight, c, axis=0)
    c_b = jnp.take(c_biase, c, axis=0)
    s_w = jnp.take(s_weight, s, axis=0)
    s_b = jnp.take(s_biase, s, axis=0)
    return jnp.sum(c_w * s_w, axis=1, keepdims=True) + c_b + s_b

if __name__ == "__main__":
    import jax
    _d = setup_inputs()
    print(jax.jit(kernel)(*tuple(_d.values())))

</pallas_src>

<mosaic_0001>
#map = affine_map<(d0, d1) -> (0)>
module attributes {stable_mosaic.version = 14 : i64} {
  func.func @sc_gather(%arg0: i32, %arg1: i32, %arg2: memref<1024000xf32, #tpu.memory_space<hbm>>, %arg3: memref<16384xi32, #tpu.memory_space<hbm>>, %arg4: memref<16384xi32, #tpu.memory_space<hbm>>, %arg5: memref<16384xf32, #tpu.memory_space<hbm>>, %arg6: memref<512xi32, #tpu.memory_space<vmem>>, %arg7: memref<512xi32, #tpu.memory_space<vmem>>, %arg8: memref<512xi32, #tpu.memory_space<vmem>>, %arg9: memref<512xf32, #tpu.memory_space<vmem>>, %arg10: memref<!tpu.dma_semaphore, #tpu.memory_space<semaphore_mem>>, %arg11: memref<!tpu.dma_semaphore, #tpu.memory_space<semaphore_mem>>) attributes {dimension_semantics = [#tpu.dimension_semantics<core_parallel>, #tpu.dimension_semantics<subcore_parallel>], iteration_bounds = array<i64: 2, 16>, scalar_prefetch = 0 : i64, scratch_operands = 6 : i64, tpu.core_type = #tpu.core_type<sc_vector_subcore>, window_params = [{transform_indices = #map}, {transform_indices = #map}, {transform_indices = #map}, {transform_indices = #map}]} {
    %mul3A = arith.constant 2 : i32
    %mul3A_0 = arith.muli %arg1, %mul3A : i32
    %add3A = arith.addi %mul3A_0, %arg0 : i32
    %mul3A_1 = arith.constant 512 : i32
    %mul3A_2 = arith.muli %add3A, %mul3A_1 : i32
    %dma_start3A = tpu.memref_slice %arg3[%mul3A_2] : memref<16384xi32, #tpu.memory_space<hbm>> -> memref<512xi32, #tpu.memory_space<hbm>>
    %dma_start3A_3 = tpu.memref_slice %arg3[%mul3A_2] : memref<16384xi32, #tpu.memory_space<hbm>> -> memref<512xi32, #tpu.memory_space<hbm>>
    tpu.enqueue_dma source(%dma_start3A_3 : memref<512xi32, #tpu.memory_space<hbm>>) target(%arg6 : memref<512xi32, #tpu.memory_space<vmem>>) target_semaphore(%arg10 : memref<!tpu.dma_semaphore, #tpu.memory_space<semaphore_mem>>)
    %dma_start3A_4 = tpu.memref_slice %arg4[%mul3A_2] : memref<16384xi32, #tpu.memory_space<hbm>> -> memref<512xi32, #tpu.memory_space<hbm>>
    %dma_start3A_5 = tpu.memref_slice %arg4[%mul3A_2] : memref<16384xi32, #tpu.memory_space<hbm>> -> memref<512xi32, #tpu.memory_space<hbm>>
    tpu.enqueue_dma source(%dma_start3A_5 : memref<512xi32, #tpu.memory_space<hbm>>) target(%arg7 : memref<512xi32, #tpu.memory_space<vmem>>) target_semaphore(%arg10 : memref<!tpu.dma_semaphore, #tpu.memory_space<semaphore_mem>>)
    %dma_wait3A = tpu.memref_slice %arg3[%mul3A_2] : memref<16384xi32, #tpu.memory_space<hbm>> -> memref<512xi32, #tpu.memory_space<hbm>>
    %dma_wait3A_6 = tpu.memref_slice %arg3[%mul3A_2] : memref<16384xi32, #tpu.memory_space<hbm>> -> memref<512xi32, #tpu.memory_space<hbm>>
    tpu.wait_dma2 semaphore(%arg10 : memref<!tpu.dma_semaphore, #tpu.memory_space<semaphore_mem>>) src(%dma_wait3A_6 : memref<512xi32, #tpu.memory_space<hbm>>) dst(%arg6 : memref<512xi32, #tpu.memory_space<vmem>>)
    %dma_wait3A_7 = tpu.memref_slice %arg4[%mul3A_2] : memref<16384xi32, #tpu.memory_space<hbm>> -> memref<512xi32, #tpu.memory_space<hbm>>
    %dma_wait3A_8 = tpu.memref_slice %arg4[%mul3A_2] : memref<16384xi32, #tpu.memory_space<hbm>> -> memref<512xi32, #tpu.memory_space<hbm>>
    tpu.wait_dma2 semaphore(%arg10 : memref<!tpu.dma_semaphore, #tpu.memory_space<semaphore_mem>>) src(%dma_wait3A_8 : memref<512xi32, #tpu.memory_space<hbm>>) dst(%arg7 : memref<512xi32, #tpu.memory_space<vmem>>)
    %scan3A = arith.constant 0 : i32
    %scan3A_9 = arith.constant 0 : i32
    %scan3A_10 = arith.constant 8 : i32
    %scan3A_11 = arith.addi %scan3A_9, %scan3A_10 : i32
    %scan3A_12 = arith.constant 1 : i32
    scf.for %scan3A_80 = %scan3A_9 to %scan3A_11 step %scan3A_12  : i32 {
      %mul3A_81 = arith.constant 16 : i32
      %mul3A_82 = arith.muli %scan3A_80, %mul3A_81 : i32
      %get3A = arith.index_cast %mul3A_82 : i32 to index
      %get3A_83 = tpu.vector_load %arg7[%get3A] {strides = array<i32>} : memref<512xi32, #tpu.memory_space<vmem>>, vector<16xi32>,
      %get3A_84 = vector.shape_cast %get3A_83 : vector<16xi32> to vector<16xi32>
      %shift_right_logical3A = arith.constant 7 : i32
      %shift_right_logical3A_85 = vector.broadcast %shift_right_logical3A : i32 to vector<16xi32>
      %shift_right_logical3A_86 = arith.shrui %get3A_84, %shift_right_logical3A_85 : vector<16xi32>
      %mul3A_87 = arith.constant 128000 : i32
      %mul3A_88 = vector.broadcast %mul3A_87 : i32 to vector<16xi32>
      %mul3A_89 = arith.muli %shift_right_logical3A_86, %mul3A_88 : vector<16xi32>
      %get3A_90 = arith.index_cast %mul3A_82 : i32 to index
      %get3A_91 = tpu.vector_load %arg6[%get3A_90] {strides = array<i32>} : memref<512xi32, #tpu.memory_space<vmem>>, vector<16xi32>,
      %get3A_92 = vector.shape_cast %get3A_91 : vector<16xi32> to vector<16xi32>
      %shift_left3A = arith.constant 7 : i32
      %shift_left3A_93 = vector.broadcast %shift_left3A : i32 to vector<16xi32>
      %shift_left3A_94 = arith.shli %get3A_92, %shift_left3A_93 : vector<16xi32>
      %add3A_95 = arith.addi %mul3A_89, %shift_left3A_94 : vector<16xi32>
      %and3A = arith.constant 127 : i32
      %and3A_96 = vector.broadcast %and3A : i32 to vector<16xi32>
      %and3A_97 = arith.andi %get3A_84, %and3A_96 : vector<16xi32>
      %add3A_98 = arith.addi %add3A_95, %and3A_97 : vector<16xi32>
      %swap3A = arith.index_cast %mul3A_82 : i32 to index
      %swap3A_99 = tpu.vector_load %arg8[%swap3A] {strides = array<i32>} : memref<512xi32, #tpu.memory_space<vmem>>, vector<16xi32>,
      %swap3A_100 = vector.shape_cast %swap3A_99 : vector<16xi32> to vector<16xi32>
      %swap3A_101 = vector.shape_cast %add3A_98 : vector<16xi32> to vector<16xi32>
      tpu.vector_store %arg8[%swap3A], %swap3A_101 {strides = array<i32>} : memref<512xi32, #tpu.memory_space<vmem>>, vector<16xi32>,
    }
    %scan3A_13 = arith.constant 8 : i32
    %dma_start3A_14 = arith.constant 0 : i32
    %dma_start3A_15 = tpu.memref_slice %arg9[%dma_start3A_14] : memref<512xf32, #tpu.memory_space<vmem>> -> memref<128xf32, #tpu.memory_space<vmem>>
    %dma_start3A_16 = arith.constant 0 : i32
    %dma_start3A_17 = tpu.memref_slice %arg8[%dma_start3A_16] : memref<512xi32, #tpu.memory_space<vmem>> -> memref<128xi32, #tpu.memory_space<vmem>>
    %dma_start3A_18 = arith.constant 0 : i32
    %dma_start3A_19 = tpu.memref_slice %arg2[%dma_start3A_18] : memref<1024000xf32, #tpu.memory_space<hbm>> -> memref<1024000xf32, #tpu.memory_space<hbm>>
    tpu.enqueue_indirect_dma source(%dma_start3A_19 : memref<1024000xf32, #tpu.memory_space<hbm>>) target(%dma_start3A_15 : memref<128xf32, #tpu.memory_space<vmem>>) offsets(%dma_start3A_17 : memref<128xi32, #tpu.memory_space<vmem>>) semaphore(%arg11 : memref<!tpu.dma_semaphore, #tpu.memory_space<semaphore_mem>>)
    %scan3A_20 = arith.constant 0 : i32
    %scan3A_21 = arith.constant 8 : i32
    %scan3A_22 = arith.constant 8 : i32
    %scan3A_23 = arith.addi %scan3A_21, %scan3A_22 : i32
    %scan3A_24 = arith.constant 1 : i32
    scf.for %scan3A_80 = %scan3A_21 to %scan3A_23 step %scan3A_24  : i32 {
      %mul3A_81 = arith.constant 16 : i32
      %mul3A_82 = arith.muli %scan3A_80, %mul3A_81 : i32
      %get3A = arith.index_cast %mul3A_82 : i32 to index
      %get3A_83 = tpu.vector_load %arg7[%get3A] {strides = array<i32>} : memref<512xi32, #tpu.memory_space<vmem>>, vector<16xi32>,
      %get3A_84 = vector.shape_cast %get3A_83 : vector<16xi32> to vector<16xi32>
      %shift_right_logical3A = arith.constant 7 : i32
      %shift_right_logical3A_85 = vector.broadcast %shift_right_logical3A : i32 to vector<16xi32>
      %shift_right_logical3A_86 = arith.shrui %get3A_84, %shift_right_logical3A_85 : vector<16xi32>
      %mul3A_87 = arith.constant 128000 : i32
      %mul3A_88 = vector.broadcast %mul3A_87 : i32 to vector<16xi32>
      %mul3A_89 = arith.muli %shift_right_logical3A_86, %mul3A_88 : vector<16xi32>
      %get3A_90 = arith.index_cast %mul3A_82 : i32 to index
      %get3A_91 = tpu.vector_load %arg6[%get3A_90] {strides = array<i32>} : memref<512xi32, #tpu.memory_space<vmem>>, vector<16xi32>,
      %get3A_92 = vector.shape_cast %get3A_91 : vector<16xi32> to vector<16xi32>
      %shift_left3A = arith.constant 7 : i32
      %shift_left3A_93 = vector.broadcast %shift_left3A : i32 to vector<16xi32>
      %shift_left3A_94 = arith.shli %get3A_92, %shift_left3A_93 : vector<16xi32>
      %add3A_95 = arith.addi %mul3A_89, %shift_left3A_94 : vector<16xi32>
      %and3A = arith.constant 127 : i32
      %and3A_96 = vector.broadcast %and3A : i32 to vector<16xi32>
      %and3A_97 = arith.andi %get3A_84, %and3A_96 : vector<16xi32>
      %add3A_98 = arith.addi %add3A_95, %and3A_97 : vector<16xi32>
      %swap3A = arith.index_cast %mul3A_82 : i32 to index
      %swap3A_99 = tpu.vector_load %arg8[%swap3A] {strides = array<i32>} : memref<512xi32, #tpu.memory_space<vmem>>, vector<16xi32>,
      %swap3A_100 = vector.shape_cast %swap3A_99 : vector<16xi32> to vector<16xi32>
      %swap3A_101 = vector.shape_cast %add3A_98 : vector<16xi32> to vector<16xi32>
      tpu.vector_store %arg8[%swap3A], %swap3A_101 {strides = array<i32>} : memref<512xi32, #tpu.memory_space<vmem>>, vector<16xi32>,
    }
    %scan3A_25 = arith.constant 8 : i32
    %dma_start3A_26 = arith.constant 128 : i32
    %dma_start3A_27 = tpu.memref_slice %arg9[%dma_start3A_26] : memref<512xf32, #tpu.memory_space<vmem>> -> memref<128xf32, #tpu.memory_space<vmem>>
    %dma_start3A_28 = arith.constant 128 : i32
    %dma_start3A_29 = tpu.memref_slice %arg8[%dma_start3A_28] : memref<512xi32, #tpu.memory_space<vmem>> -> memref<128xi32, #tpu.memory_space<vmem>>
    %dma_start3A_30 = arith.constant 0 : i32
    %dma_start3A_31 = tpu.memref_slice %arg2[%dma_start3A_30] : memref<1024000xf32, #tpu.memory_space<hbm>> -> memref<1024000xf32, #tpu.memory_space<hbm>>
    tpu.enqueue_indirect_dma source(%dma_start3A_31 : memref<1024000xf32, #tpu.memory_space<hbm>>) target(%dma_start3A_27 : memref<128xf32, #tpu.memory_space<vmem>>) offsets(%dma_start3A_29 : memref<128xi32, #tpu.memory_space<vmem>>) semaphore(%arg11 : memref<!tpu.dma_semaphore, #tpu.memory_space<semaphore_mem>>)
    %scan3A_32 = arith.constant 0 : i32
    %scan3A_33 = arith.constant 16 : i32
    %scan3A_34 = arith.constant 8 : i32
    %scan3A_35 = arith.addi %scan3A_33, %scan3A_34 : i32
    %scan3A_36 = arith.constant 1 : i32
    scf.for %scan3A_80 = %scan3A_33 to %scan3A_35 step %scan3A_36  : i32 {
      %mul3A_81 = arith.constant 16 : i32
      %mul3A_82 = arith.muli %scan3A_80, %mul3A_81 : i32
      %get3A = arith.index_cast %mul3A_82 : i32 to index
      %get3A_83 = tpu.vector_load %arg7[%get3A] {strides = array<i32>} : memref<512xi32, #tpu.memory_space<vmem>>, vector<16xi32>,
      %get3A_84 = vector.shape_cast %get3A_83 : vector<16xi32> to vector<16xi32>
      %shift_right_logical3A = arith.constant 7 : i32
      %shift_right_logical3A_85 = vector.broadcast %shift_right_logical3A : i32 to vector<16xi32>
      %shift_right_logical3A_86 = arith.shrui %get3A_84, %shift_right_logical3A_85 : vector<16xi32>
      %mul3A_87 = arith.constant 128000 : i32
      %mul3A_88 = vector.broadcast %mul3A_87 : i32 to vector<16xi32>
      %mul3A_89 = arith.muli %shift_right_logical3A_86, %mul3A_88 : vector<16xi32>
      %get3A_90 = arith.index_cast %mul3A_82 : i32 to index
      %get3A_91 = tpu.vector_load %arg6[%get3A_90] {strides = array<i32>} : memref<512xi32, #tpu.memory_space<vmem>>, vector<16xi32>,
      %get3A_92 = vector.shape_cast %get3A_91 : vector<16xi32> to vector<16xi32>
      %shift_left3A = arith.constant 7 : i32
      %shift_left3A_93 = vector.broadcast %shift_left3A : i32 to vector<16xi32>
      %shift_left3A_94 = arith.shli %get3A_92, %shift_left3A_93 : vector<16xi32>
      %add3A_95 = arith.addi %mul3A_89, %shift_left3A_94 : vector<16xi32>
      %and3A = arith.constant 127 : i32
      %and3A_96 = vector.broadcast %and3A : i32 to vector<16xi32>
      %and3A_97 = arith.andi %get3A_84, %and3A_96 : vector<16xi32>
      %add3A_98 = arith.addi %add3A_95, %and3A_97 : vector<16xi32>
      %swap3A = arith.index_cast %mul3A_82 : i32 to index
      %swap3A_99 = tpu.vector_load %arg8[%swap3A] {strides = array<i32>} : memref<512xi32, #tpu.memory_space<vmem>>, vector<16xi32>,
      %swap3A_100 = vector.shape_cast %swap3A_99 : vector<16xi32> to vector<16xi32>
      %swap3A_101 = vector.shape_cast %add3A_98 : vector<16xi32> to vector<16xi32>
      tpu.vector_store %arg8[%swap3A], %swap3A_101 {strides = array<i32>} : memref<512xi32, #tpu.memory_space<vmem>>, vector<16xi32>,
    }
    %scan3A_37 = arith.constant 8 : i32
    %dma_start3A_38 = arith.constant 256 : i32
    %dma_start3A_39 = tpu.memref_slice %arg9[%dma_start3A_38] : memref<512xf32, #tpu.memory_space<vmem>> -> memref<128xf32, #tpu.memory_space<vmem>>
    %dma_start3A_40 = arith.constant 256 : i32
    %dma_start3A_41 = tpu.memref_slice %arg8[%dma_start3A_40] : memref<512xi32, #tpu.memory_space<vmem>> -> memref<128xi32, #tpu.memory_space<vmem>>
    %dma_start3A_42 = arith.constant 0 : i32
    %dma_start3A_43 = tpu.memref_slice %arg2[%dma_start3A_42] : memref<1024000xf32, #tpu.memory_space<hbm>> -> memref<1024000xf32, #tpu.memory_space<hbm>>
    tpu.enqueue_indirect_dma source(%dma_start3A_43 : memref<1024000xf32, #tpu.memory_space<hbm>>) target(%dma_start3A_39 : memref<128xf32, #tpu.memory_space<vmem>>) offsets(%dma_start3A_41 : memref<128xi32, #tpu.memory_space<vmem>>) semaphore(%arg11 : memref<!tpu.dma_semaphore, #tpu.memory_space<semaphore_mem>>)
    %scan3A_44 = arith.constant 0 : i32
    %scan3A_45 = arith.constant 24 : i32
    %scan3A_46 = arith.constant 8 : i32
    %scan3A_47 = arith.addi %scan3A_45, %scan3A_46 : i32
    %scan3A_48 = arith.constant 1 : i32
    scf.for %scan3A_80 = %scan3A_45 to %scan3A_47 step %scan3A_48  : i32 {
      %mul3A_81 = arith.constant 16 : i32
      %mul3A_82 = arith.muli %scan3A_80, %mul3A_81 : i32
      %get3A = arith.index_cast %mul3A_82 : i32 to index
      %get3A_83 = tpu.vector_load %arg7[%get3A] {strides = array<i32>} : memref<512xi32, #tpu.memory_space<vmem>>, vector<16xi32>,
      %get3A_84 = vector.shape_cast %get3A_83 : vector<16xi32> to vector<16xi32>
      %shift_right_logical3A = arith.constant 7 : i32
      %shift_right_logical3A_85 = vector.broadcast %shift_right_logical3A : i32 to vector<16xi32>
      %shift_right_logical3A_86 = arith.shrui %get3A_84, %shift_right_logical3A_85 : vector<16xi32>
      %mul3A_87 = arith.constant 128000 : i32
      %mul3A_88 = vector.broadcast %mul3A_87 : i32 to vector<16xi32>
      %mul3A_89 = arith.muli %shift_right_logical3A_86, %mul3A_88 : vector<16xi32>
      %get3A_90 = arith.index_cast %mul3A_82 : i32 to index
      %get3A_91 = tpu.vector_load %arg6[%get3A_90] {strides = array<i32>} : memref<512xi32, #tpu.memory_space<vmem>>, vector<16xi32>,
      %get3A_92 = vector.shape_cast %get3A_91 : vector<16xi32> to vector<16xi32>
      %shift_left3A = arith.constant 7 : i32
      %shift_left3A_93 = vector.broadcast %shift_left3A : i32 to vector<16xi32>
      %shift_left3A_94 = arith.shli %get3A_92, %shift_left3A_93 : vector<16xi32>
      %add3A_95 = arith.addi %mul3A_89, %shift_left3A_94 : vector<16xi32>
      %and3A = arith.constant 127 : i32
      %and3A_96 = vector.broadcast %and3A : i32 to vector<16xi32>
      %and3A_97 = arith.andi %get3A_84, %and3A_96 : vector<16xi32>
      %add3A_98 = arith.addi %add3A_95, %and3A_97 : vector<16xi32>
      %swap3A = arith.index_cast %mul3A_82 : i32 to index
      %swap3A_99 = tpu.vector_load %arg8[%swap3A] {strides = array<i32>} : memref<512xi32, #tpu.memory_space<vmem>>, vector<16xi32>,
      %swap3A_100 = vector.shape_cast %swap3A_99 : vector<16xi32> to vector<16xi32>
      %swap3A_101 = vector.shape_cast %add3A_98 : vector<16xi32> to vector<16xi32>
      tpu.vector_store %arg8[%swap3A], %swap3A_101 {strides = array<i32>} : memref<512xi32, #tpu.memory_space<vmem>>, vector<16xi32>,
    }
    %scan3A_49 = arith.constant 8 : i32
    %dma_start3A_50 = arith.constant 384 : i32
    %dma_start3A_51 = tpu.memref_slice %arg9[%dma_start3A_50] : memref<512xf32, #tpu.memory_space<vmem>> -> memref<128xf32, #tpu.memory_space<vmem>>
    %dma_start3A_52 = arith.constant 384 : i32
    %dma_start3A_53 = tpu.memref_slice %arg8[%dma_start3A_52] : memref<512xi32, #tpu.memory_space<vmem>> -> memref<128xi32, #tpu.memory_space<vmem>>
    %dma_start3A_54 = arith.constant 0 : i32
    %dma_start3A_55 = tpu.memref_slice %arg2[%dma_start3A_54] : memref<1024000xf32, #tpu.memory_space<hbm>> -> memref<1024000xf32, #tpu.memory_space<hbm>>
    tpu.enqueue_indirect_dma source(%dma_start3A_55 : memref<1024000xf32, #tpu.memory_space<hbm>>) target(%dma_start3A_51 : memref<128xf32, #tpu.memory_space<vmem>>) offsets(%dma_start3A_53 : memref<128xi32, #tpu.memory_space<vmem>>) semaphore(%arg11 : memref<!tpu.dma_semaphore, #tpu.memory_space<semaphore_mem>>)
    %dma_wait3A_56 = arith.constant 0 : i32
    %dma_wait3A_57 = tpu.memref_slice %arg9[%dma_wait3A_56] : memref<512xf32, #tpu.memory_space<vmem>> -> memref<128xf32, #tpu.memory_space<vmem>>
    %dma_wait3A_58 = arith.constant 0 : i32
    %dma_wait3A_59 = tpu.memref_slice %arg8[%dma_wait3A_58] : memref<512xi32, #tpu.memory_space<vmem>> -> memref<128xi32, #tpu.memory_space<vmem>>
    %dma_wait3A_60 = arith.constant 0 : i32
    %dma_wait3A_61 = tpu.memref_slice %arg2[%dma_wait3A_60] : memref<1024000xf32, #tpu.memory_space<hbm>> -> memref<1024000xf32, #tpu.memory_space<hbm>>
    tpu.wait_indirect_dma semaphore(%arg11 : memref<!tpu.dma_semaphore, #tpu.memory_space<semaphore_mem>>) src(%dma_wait3A_61 : memref<1024000xf32, #tpu.memory_space<hbm>>) dst(%dma_wait3A_57 : memref<128xf32, #tpu.memory_space<vmem>>)
    %dma_wait3A_62 = arith.constant 128 : i32
    %dma_wait3A_63 = tpu.memref_slice %arg9[%dma_wait3A_62] : memref<512xf32, #tpu.memory_space<vmem>> -> memref<128xf32, #tpu.memory_space<vmem>>
    %dma_wait3A_64 = arith.constant 128 : i32
    %dma_wait3A_65 = tpu.memref_slice %arg8[%dma_wait3A_64] : memref<512xi32, #tpu.memory_space<vmem>> -> memref<128xi32, #tpu.memory_space<vmem>>
    %dma_wait3A_66 = arith.constant 0 : i32
    %dma_wait3A_67 = tpu.memref_slice %arg2[%dma_wait3A_66] : memref<1024000xf32, #tpu.memory_space<hbm>> -> memref<1024000xf32, #tpu.memory_space<hbm>>
    tpu.wait_indirect_dma semaphore(%arg11 : memref<!tpu.dma_semaphore, #tpu.memory_space<semaphore_mem>>) src(%dma_wait3A_67 : memref<1024000xf32, #tpu.memory_space<hbm>>) dst(%dma_wait3A_63 : memref<128xf32, #tpu.memory_space<vmem>>)
    %dma_wait3A_68 = arith.constant 256 : i32
    %dma_wait3A_69 = tpu.memref_slice %arg9[%dma_wait3A_68] : memref<512xf32, #tpu.memory_space<vmem>> -> memref<128xf32, #tpu.memory_space<vmem>>
    %dma_wait3A_70 = arith.constant 256 : i32
    %dma_wait3A_71 = tpu.memref_slice %arg8[%dma_wait3A_70] : memref<512xi32, #tpu.memory_space<vmem>> -> memref<128xi32, #tpu.memory_space<vmem>>
    %dma_wait3A_72 = arith.constant 0 : i32
    %dma_wait3A_73 = tpu.memref_slice %arg2[%dma_wait3A_72] : memref<1024000xf32, #tpu.memory_space<hbm>> -> memref<1024000xf32, #tpu.memory_space<hbm>>
    tpu.wait_indirect_dma semaphore(%arg11 : memref<!tpu.dma_semaphore, #tpu.memory_space<semaphore_mem>>) src(%dma_wait3A_73 : memref<1024000xf32, #tpu.memory_space<hbm>>) dst(%dma_wait3A_69 : memref<128xf32, #tpu.memory_space<vmem>>)
    %dma_wait3A_74 = arith.constant 384 : i32
    %dma_wait3A_75 = tpu.memref_slice %arg9[%dma_wait3A_74] : memref<512xf32, #tpu.memory_space<vmem>> -> memref<128xf32, #tpu.memory_space<vmem>>
    %dma_wait3A_76 = arith.constant 384 : i32
    %dma_wait3A_77 = tpu.memref_slice %arg8[%dma_wait3A_76] : memref<512xi32, #tpu.memory_space<vmem>> -> memref<128xi32, #tpu.memory_space<vmem>>
    %dma_wait3A_78 = arith.constant 0 : i32
    %dma_wait3A_79 = tpu.memref_slice %arg2[%dma_wait3A_78] : memref<1024000xf32, #tpu.memory_space<hbm>> -> memref<1024000xf32, #tpu.memory_space<hbm>>
    tpu.wait_indirect_dma semaphore(%arg11 : memref<!tpu.dma_semaphore, #tpu.memory_space<semaphore_mem>>) src(%dma_wait3A_79 : memref<1024000xf32, #tpu.memory_space<hbm>>) dst(%dma_wait3A_75 : memref<128xf32, #tpu.memory_space<vmem>>)
    "tpu.region"() ({
      %run_scoped3A = tpu.sem_alloc : memref<!tpu.dma_semaphore, #tpu.memory_space<semaphore_mem>>
      %dma_start3A_80 = tpu.memref_slice %arg5[%mul3A_2] : memref<16384xf32, #tpu.memory_space<hbm>> -> memref<512xf32, #tpu.memory_space<hbm>>
      %dma_start3A_81 = tpu.memref_slice %arg5[%mul3A_2] : memref<16384xf32, #tpu.memory_space<hbm>> -> memref<512xf32, #tpu.memory_space<hbm>>
      tpu.enqueue_dma source(%arg9 : memref<512xf32, #tpu.memory_space<vmem>>) target(%dma_start3A_81 : memref<512xf32, #tpu.memory_space<hbm>>) target_semaphore(%run_scoped3A : memref<!tpu.dma_semaphore, #tpu.memory_space<semaphore_mem>>)
      %dma_wait3A_82 = tpu.memref_slice %arg5[%mul3A_2] : memref<16384xf32, #tpu.memory_space<hbm>> -> memref<512xf32, #tpu.memory_space<hbm>>
      %dma_wait3A_83 = tpu.memref_slice %arg5[%mul3A_2] : memref<16384xf32, #tpu.memory_space<hbm>> -> memref<512xf32, #tpu.memory_space<hbm>>
      tpu.wait_dma2 semaphore(%run_scoped3A : memref<!tpu.dma_semaphore, #tpu.memory_space<semaphore_mem>>) src(%arg9 : memref<512xf32, #tpu.memory_space<vmem>>) dst(%dma_wait3A_83 : memref<512xf32, #tpu.memory_space<hbm>>)
      tpu.yield
    }) : () -> ()
    return
  }
}

module attributes {stable_mosaic.version = 14 : i64} {
  func.func @_interaction_table_kernel(%arg0: i32, %arg1: memref<1000x128xf32, #tpu.memory_space<vmem>>, %arg2: memref<512x128xf32, #tpu.memory_space<vmem>>, %arg3: memref<1000x1xf32, #tpu.memory_space<vmem>>, %arg4: memref<1x512xf32, #tpu.memory_space<vmem>>, %arg5: memref<4000x128xf32, #tpu.memory_space<vmem>>) attributes {dimension_semantics = [#tpu.dimension_semantics<arbitrary>], iteration_bounds = array<i64: 2>, scalar_prefetch = 0 : i64, scratch_operands = 0 : i64, tpu.core_type = #tpu.core_type<tc>, window_params = [{pipeline_mode = #tpu.pipeline_mode<synchronous>, transform_indices = @transform_0, window_bounds = array<i64: 1000, 128>}, {transform_indices = @transform_1, window_bounds = array<i64: 512, 128>}, {pipeline_mode = #tpu.pipeline_mode<synchronous>, transform_indices = @transform_2, window_bounds = array<i64: 1000, 1>}, {transform_indices = @transform_3, window_bounds = array<i64: 1, 512>}, {transform_indices = @transform_4, window_bounds = array<i64: 4000, 128>}]} {
    %get3A = arith.constant 0 : index
    %get3A_0 = arith.constant 0 : index
    %get3A_1 = vector.load %arg1[%get3A, %get3A_0] : memref<1000x128xf32, #tpu.memory_space<vmem>>, vector<1000x128xf32>
    %get3A_2 = arith.constant 0 : index
    %get3A_3 = arith.constant 0 : index
    %get3A_4 = vector.load %arg2[%get3A_2, %get3A_3] : memref<512x128xf32, #tpu.memory_space<vmem>>, vector<512x128xf32>
    %dot_general3A = arith.constant dense<0.000000e+00> : vector<1000x512xf32>
    %dot_general3A_5 = tpu.matmul %get3A_1, %get3A_4, %dot_general3A {dimension_numbers = #tpu.dot_dimension_numbers<[1], [1], [0], [0], [0, 0, 1, 0], [], []>, precision = #tpu.contract_precision<fp32>, transpose_lhs_hint = false} : vector<1000x128xf32>, vector<512x128xf32>, vector<1000x512xf32> -> vector<1000x512xf32>
    %get3A_6 = arith.constant 0 : index
    %get3A_7 = arith.constant 0 : index
    %get3A_8 = vector.load %arg3[%get3A_6, %get3A_7] : memref<1000x1xf32, #tpu.memory_space<vmem>>, vector<1000x1xf32>
    %add3A = vector.broadcast %get3A_8 : vector<1000x1xf32> to vector<1000x512xf32>
    %add3A_9 = arith.addf %dot_general3A_5, %add3A : vector<1000x512xf32>
    %get3A_10 = arith.constant 0 : index
    %get3A_11 = arith.constant 0 : index
    %get3A_12 = vector.load %arg4[%get3A_10, %get3A_11] : memref<1x512xf32, #tpu.memory_space<vmem>>, vector<1x512xf32>
    %add3A_13 = vector.broadcast %get3A_12 : vector<1x512xf32> to vector<1000x512xf32>
    %add3A_14 = arith.addf %add3A_9, %add3A_13 : vector<1000x512xf32>
    %slice3A = vector.extract_strided_slice %add3A_14 {offsets = [0, 0], sizes = [1000, 128], strides = [1, 1]} : vector<1000x512xf32> to vector<1000x128xf32>
    %swap3A = arith.constant 0 : index
    %swap3A_15 = arith.constant 0 : index
    %swap3A_16 = vector.load %arg5[%swap3A, %swap3A_15] : memref<4000x128xf32, #tpu.memory_space<vmem>>, vector<1000x128xf32>
    tpu.vector_store %arg5[%swap3A, %swap3A_15], %slice3A {strides = array<i32>} : memref<4000x128xf32, #tpu.memory_space<vmem>>, vector<1000x128xf32>,
    %slice3A_17 = vector.extract_strided_slice %add3A_14 {offsets = [0, 128], sizes = [1000, 128], strides = [1, 1]} : vector<1000x512xf32> to vector<1000x128xf32>
    %swap3A_18 = arith.constant 1000 : index
    %swap3A_19 = arith.constant 0 : index
    %swap3A_20 = vector.load %arg5[%swap3A_18, %swap3A_19] : memref<4000x128xf32, #tpu.memory_space<vmem>>, vector<1000x128xf32>
    tpu.vector_store %arg5[%swap3A_18, %swap3A_19], %slice3A_17 {strides = array<i32>} : memref<4000x128xf32, #tpu.memory_space<vmem>>, vector<1000x128xf32>,
    %slice3A_21 = vector.extract_strided_slice %add3A_14 {offsets = [0, 256], sizes = [1000, 128], strides = [1, 1]} : vector<1000x512xf32> to vector<1000x128xf32>
    %swap3A_22 = arith.constant 2000 : index
    %swap3A_23 = arith.constant 0 : index
    %swap3A_24 = vector.load %arg5[%swap3A_22, %swap3A_23] : memref<4000x128xf32, #tpu.memory_space<vmem>>, vector<1000x128xf32>
    tpu.vector_store %arg5[%swap3A_22, %swap3A_23], %slice3A_21 {strides = array<i32>} : memref<4000x128xf32, #tpu.memory_space<vmem>>, vector<1000x128xf32>,
    %slice3A_25 = vector.extract_strided_slice %add3A_14 {offsets = [0, 384], sizes = [1000, 128], strides = [1, 1]} : vector<1000x512xf32> to vector<1000x128xf32>
    %swap3A_26 = arith.constant 3000 : index
    %swap3A_27 = arith.constant 0 : index
    %swap3A_28 = vector.load %arg5[%swap3A_26, %swap3A_27] : memref<4000x128xf32, #tpu.memory_space<vmem>>, vector<1000x128xf32>
    tpu.vector_store %arg5[%swap3A_26, %swap3A_27], %slice3A_25 {strides = array<i32>} : memref<4000x128xf32, #tpu.memory_space<vmem>>, vector<1000x128xf32>,
    return
  }
  func.func @transform_0(%arg0: i32) -> (i32, i32) {
    %c0_i32 = arith.constant 0 : i32
    %c0_i32_0 = arith.constant 0 : i32
    %c0_i32_1 = arith.constant 0 : i32
    return %c0_i32, %c0_i32_0 : i32, i32
  }
  func.func @transform_1(%arg0: i32) -> (i32, i32) {
    %c0_i32 = arith.constant 0 : i32
    %c0_i32_0 = arith.constant 0 : i32
    return %arg0, %c0_i32 : i32, i32
  }
  func.func @transform_2(%arg0: i32) -> (i32, i32) {
    %c0_i32 = arith.constant 0 : i32
    %c0_i32_0 = arith.constant 0 : i32
    %c0_i32_1 = arith.constant 0 : i32
    return %c0_i32, %c0_i32_0 : i32, i32
  }
  func.func @transform_3(%arg0: i32) -> (i32, i32) {
    %c0_i32 = arith.constant 0 : i32
    %c0_i32_0 = arith.constant 0 : i32
    return %c0_i32, %arg0 : i32, i32
  }
  func.func @transform_4(%arg0: i32) -> (i32, i32) {
    %c0_i32 = arith.constant 0 : i32
    %c0_i32_0 = arith.constant 0 : i32
    return %arg0, %c0_i32 : i32, i32
  }
}

</mosaic_0001>

<sc_bundles>
// kernel: kernel.4.cloned.1.call-start
scs
__scs_entry_jumppad:
0x0: {  	(pc) =	sbr.rel $0x88, $3  }
0x1: {  	(tag) =	ssettag $0x0;
	lr =	simm.s32 $0x1  }
0x2: {  	[smem:$0x3F9B] =	sst lr;
	_ =	strace $0xD0000000  }
0x3: {  	_ = 	snop  }
0x4: {  	_ = 	snop  }
0x5: {  	_ = 	snop  }
0x6: {  	_ = 	snop  }
0x7: {  	_ = 	snop  }
__scs_overlays_trampoline_lowered:
0x8: {  	[smem:$0x3FAA] =	sst s0  }
0x9: {  	[smem:$0x3FAB] =	sst s1  }
0xa: {  	[smem:$0x3FAC] =	sst s2  }
0xb: {  	[smem:$0x3FAD] =	sst s3  }
0xc: {  	[smem:$0x3FAE] =	sst s4  }
0xd: {  	[smem:$0x3FAF] =	sst s5  }
0xe: {  	[smem:$0x3FB0] =	sst s6  }
0xf: {  	[smem:$0x3FB1] =	sst s7  }
0x10: {  	[smem:$0x3FB2] =	sst s8  }
0x11: {  	[smem:$0x3FB3] =	sst s9;
	s0 =	simm.s32 @!p0 $0x0  }
0x12: {  	s1 =	sld [smem:$0x3F99];
	s0 =	simm.s32 @p0 $0x1  }
0x13: {  	[smem:$0x3FB4] =	sst s0;
	s0 =	simm.s32 @!p1 $0x0  }
0x14: {  	s2 =	sld [smem:$0x3F98];
	s0 =	simm.s32 @p1 $0x1  }
0x15: {  	[smem:$0x3FB5] =	sst s0;
	s0 =	simm.s32 @!p2 $0x0  }
0x16: {  	s3 =	sld [smem:$0x3FDB];
	s0 =	simm.s32 @p2 $0x1  }
0x17: {  	s4 =	simm.s32 $0x1BF5;
	[smem:$0x3FB7] =	sst s0  }
0x18: {  	s0 =	sld [smem:$0x3F9A];
	_ =	swait.ge [sflag:s4], $0x0  }
0x19: {  	s7 =	sld [smem:$0x3F9B]  }
0x1a: {  	s8 =	sadd.s32 $0xFFFFE003, lr  }
0x1b: {  	s9 =	sadd.s32 $0xFFFFFEF7, lr;
	s5 =	simm.s32 $0xFFFFFFFF;
	p2 =	slt.u32 s8, $0xFFFFF086  }
0x1c: {  	p1 =	slt.u32 s9, $0xF7A;
	s5 =	simm.s32 @!p2 $0x0  }
0x1d: {  	s5 =	simm.s32 @p1 $0x1;
	p0 =	seq.s32 s7, s2  }
0x1e: {  	s7 =	smul.u32 @!p0 $0xF7A, s2;
	p2 =	seq.s32 @!p0 s5, $0x0  }
0x1f: {  	s9 =	smul.u32 $0xF7A, s1;
	s8 =	simm.s32 @!p0 $0x1BF5;
	p2 =	por !p2, p0  }
0x20: {  	[sflag:s8] =	ssyncset.s32 @!p0 $0xFFFFF086;
	s6 =	sadd.s32 @!p0 s3, s7;
	s7 =	simm.s32 @!p0 $0x108  }
0x21: {  	s3 =	sadd.s32 s3, s9;
	s6 =	sadd.s32 @!p0 $0x88, s6;
	s7 =	simm.s32 @p2 $0x1082  }
0x22: {  	[simem:s7], [sflag:s8] =	dma.local @!p0 [hbm:s6], $0xF7A  }
0x23: {  	s9 =	sor.u32 $0xD0000000, s2;
	s6 =	simm.s32 $0x108;
	_ =	swait.ge @!p0 [sflag:s8], $0x0  }
0x24: {  	s3 =	sadd.s32 $0x88, s3;
	s6 =	simm.s32 @!p1 $0x1082;
	[sflag:s4] =	ssyncset.s32 $0xFFFFF086  }
0x25: {  	[simem:s6], [sflag:s4] =	dma.local [hbm:s3], $0xF7A  }
0x26: {  	[smem:$0x3F9B] =	sst s1;
	(tag) =	ssettag s2;
	_ =	strace s9  }
0x27: {  	s1 =	sld [smem:$0x3FAB]  }
0x28: {  	s2 =	sld [smem:$0x3FAC]  }
0x29: {  	s4 =	sld [smem:$0x3FAE]  }
0x2a: {  	p0 =	seq.s32 s5, $0x0;
	s5 =	sld [smem:$0x3FAF]  }
0x2b: {  	s6 =	sld [smem:$0x3FB0]  }
0x2c: {  	s7 =	sld [smem:$0x3FB1]  }
0x2d: {  	s3 =	simm.s32 $0x108;
	s8 =	sld [smem:$0x3FB2]  }
0x2e: {  	s3 =	simm.s32 @!p0 $0x1082;
	s9 =	sld [smem:$0x3FB3]  }
0x2f: {  	lr =	sadd.s32 s0, s3;
	s0 =	sld [smem:$0x3FAA]  }
0x30: {  	s3 =	sld [smem:$0x3FAD]  }
0x31: {  	[smem:$0x3FB6] =	sst s10  }
0x32: {  	s10 =	sld [smem:$0x3FB4];
	_ =	sdelay $0x3  }
0x33: {  	p0 =	seq.s32 s10, $0x1;
	s10 =	sld [smem:$0x3FB6];
	_ =	sdelay $0x3  }
0x34: {  	[smem:$0x3FB6] =	sst s10  }
0x35: {  	s10 =	sld [smem:$0x3FB5];
	_ =	sdelay $0x3  }
0x36: {  	p1 =	seq.s32 s10, $0x1;
	s10 =	sld [smem:$0x3FB6];
	_ =	sdelay $0x3  }
0x37: {  	[smem:$0x3FB6] =	sst s10  }
0x38: {  	s10 =	sld [smem:$0x3FB7]  }
0x39: {  	_ = 	snop;
	(pc) =	sbr.ind lr, $3  }
0x3a: {  	_ = 	snop  }
0x3b: {  	_ = 	snop  }
0x3c: {  	p2 =	seq.s32 s10, $0x1;
	s10 =	sld [smem:$0x3FB6]  }
0x3d: {  	_ =	shalt  }
0x3e: {  	_ =	shalt  }
0x3f: {  	_ =	shalt  }
0x40: {  	_ =	shalt  }
0x41: {  	_ =	shalt  }
0x42: {  	_ =	shalt  }
0x43: {  	_ =	shalt  }
0x44: {  	_ =	shalt  }
0x45: {  	_ =	shalt  }
0x46: {  	_ =	shalt  }
0x47: {  	_ =	shalt  }
0x48: {  	_ =	shalt  }
0x49: {  	_ =	shalt  }
0x4a: {  	_ =	shalt  }
0x4b: {  	_ =	shalt  }
0x4c: {  	_ =	shalt  }
0x4d: {  	_ =	shalt  }
0x4e: {  	_ =	shalt  }
0x4f: {  	_ =	shalt  }
0x50: {  	_ =	shalt  }
0x51: {  	_ =	shalt  }
0x52: {  	_ =	shalt  }
0x53: {  	_ =	shalt  }
0x54: {  	_ =	shalt  }
0x55: {  	_ =	shalt  }
0x56: {  	_ =	shalt  }
0x57: {  	_ =	shalt  }
0x58: {  	_ =	shalt  }
0x59: {  	_ =	shalt  }
0x5a: {  	_ =	shalt  }
0x5b: {  	_ =	shalt  }
0x5c: {  	_ =	shalt  }
0x5d: {  	_ =	shalt  }
0x5e: {  	_ =	shalt  }
0x5f: {  	_ =	shalt  }
0x60: {  	_ =	shalt  }
0x61: {  	_ =	shalt  }
0x62: {  	_ =	shalt  }
0x63: {  	_ =	shalt  }
0x64: {  	_ =	shalt  }
0x65: {  	_ =	shalt  }
0x66: {  	_ =	shalt  }
0x67: {  	_ =	shalt  }
0x68: {  	_ =	shalt  }
0x69: {  	_ =	shalt  }
0x6a: {  	_ =	shalt  }
0x6b: {  	_ =	shalt  }
0x6c: {  	_ =	shalt  }
0x6d: {  	_ =	shalt  }
0x6e: {  	_ =	shalt  }
0x6f: {  	_ =	shalt  }
0x70: {  	_ =	shalt  }
0x71: {  	_ =	shalt  }
0x72: {  	_ =	shalt  }
0x73: {  	_ =	shalt  }
0x74: {  	_ =	shalt  }
0x75: {  	_ =	shalt  }
0x76: {  	_ =	shalt  }
0x77: {  	_ =	shalt  }
0x78: {  	_ =	shalt  }
0x79: {  	_ =	shalt  }
0x7a: {  	_ =	shalt  }
0x7b: {  	_ =	shalt  }
0x7c: {  	_ =	shalt  }
0x7d: {  	_ =	shalt  }
0x7e: {  	_ =	shalt  }
0x7f: {  	_ =	shalt  }
0x80: {  	_ =	shalt  }
0x81: {  	_ =	shalt  }
0x82: {  	_ =	shalt  }
0x83: {  	_ =	shalt  }
0x84: {  	_ =	shalt  }
0x85: {  	_ =	shalt  }
0x86: {  	_ =	shalt  }
0x87: {  	_ =	shalt  }
.Lfunc_end0:
.L_simem_size_0:
called_computation_lowered:
.L_overlay_start_0:
0x88: {  	s2 =	sld [smem:$0x3FD9]  }
0x89: {  	s3 =	sld [smem:$0x3FFE];
	_ =	sdelay $0x1  }
0x8a: {  	s1 =	srdreg.scid  }
0x8b: {  	s0 =	sand.u32 $0x1, s1  }
0x8c: {  	s17 =	sshll.u32 s0, $0xA;
	s2 =	sadd.s32 s3, s2  }
0x8d: {  	s2 =	sadd.s32 s2, s17  }
0x8e: {  	[smem:$0x3FC2] =	sst s2  }
0x8f: {  	_ = 	snop  }
0x90: {  	s2 =	sld [smem:$0x3FC9]  }
0x91: {  	s18 =	sld [smem:$0x3FC8]  }
0x92: {  	s4 =	sld [smem:$0x3FD0];
	(tm) =	ssettm $0x1  }
0x93: {  	s5 =	sld [smem:$0x3FFB];
	_ =	sdelay $0x3  }
0x94: {  	_ =	strace s5  }
0x95: {  	s5 =	sld [smem:$0x3FFC];
	_ =	sdelay $0x3  }
0x96: {  	_ =	strace s5  }
0x97: {  	s5 =	sld [smem:$0x3FFD];
	_ =	sdelay $0x3  }
0x98: {  	_ =	strace s5  }
0x99: {  	_ =	strace $0x8FFFFFFF  }
0x9a: {  	s19 =	sld [smem:$0x3FDB];
	_ =	sdelay $0x1  }
0x9b: {  	s6 =	simm.s32 $_scs_section_size  }
0x9c: {  	s7 =	simm.s32 $_size__tile_overlayer_lowered;
	s8 =	simm.s32 $_tile_overlayer_lowered  }
0x9d: {  	s22 =	simm.s32 $0x1BFF;
	s21 =	sshll.u32 s8, $0x1;
	s5 =	sadd.s32 s6, s19  }
0x9e: {  	s9 =	simm.s32 $0x0;
	s20 =	sshll.u32 s7, $0x1;
	s7 =	sadd.s32 s21, s5  }
0x9f: {  	[timem:s9], [sflag:s22] =	dma.local [hbm:s7], s20  }
0xa0: {  	_ =	swait.ge [sflag:s22], s20  }
0xa1: {  	s6 =	ssub.s32 $0x0, s20;
	[sflag:s22] =	ssyncset.done $0x0  }
0xa2: {  	[sflag:s22] =	ssyncadd.s32 s6;
	_ =	sdelay $0x1  }
0xa3: {  	s23 =	simm.s32 $0x1B8B  }
0xa4: {  	_ =	swait.ge [sflag:s23], $0x1  }
0xa5: {  	[sflag:s23] =	ssyncset.done $0x0  }
0xa6: {  	s25 =	simm.s32 $0x1B8E;
	s24 =	sld [smem:$0x3FFE];
	[sflag:s23] =	ssyncadd.s32 $0xFFFFFFFF  }
0xa7: {  	s26 =	simm.s32 $execute0_lowered;
	[smem:$0x3FD2] =	sst s25  }
0xa8: {  	s7 =	sshll.u32 s26, $0x1;
	_ =	strace $0x80000046;
	[dreg:$0x1] =	wrdreg $0xFFFFFFFF  }
0xa9: {  	s28 =	simm.s32 $_size_execute0_lowered;
	s5 =	sadd.s32 s5, s7;
	[dreg:$0x0] =	wrdreg $0x0  }
0xaa: {  	s7 =	sshll.u32 s28, $0x1;
	[dreg:$0x2] =	wrdreg s5  }
0xab: {  	[dreg:$0x3] =	wrdreg s7  }
0xac: {  	[dreg:$0x4] =	wrdreg $0xC0  }
0xad: {  	_ =	task [dreg:s9], $0x5FFFF  }
0xae: {  	[dreg:$0x1] =	wrdreg $0xFFFFFFFF  }
0xaf: {  	[dreg:$0x0] =	wrdreg $0x60  }
0xb0: {  	[dreg:$0x2] =	wrdreg s24  }
0xb1: {  	[dreg:$0x3] =	wrdreg s2  }
0xb2: {  	[dreg:$0x4] =	wrdreg s18  }
0xb3: {  	[dreg:$0x5] =	wrdreg s4  }
0xb4: {  	[dreg:$0x6] =	wrdreg $0x9  }
0xb5: {  	_ =	task.clear_ibuf [dreg:s9], $0x7FFFF;
	_ =	strace $0x90000046  }
0xb6: {  	s29 =	simm.s32 $0x9;
	_ =	strace $0x80000048  }
0xb7: {  	_ =	swait.ge [sflag:s29], $0x1  }
0xb8: {  	[sflag:s29] =	ssyncadd.s32 $0xFFFFFFFF  }
0xb9: {  	_ =	strace $0x90000048  }
0xba: {  	_ =	sfence  }
0xbb: {  	s30 =	sld [smem:$0x0];
	_ =	sdelay $0x2  }
0xbc: {  	s31 =	sshll.u32 s1, $0xD;
	s1 =	sshrl.u32 s1, $0x2  }
0xbd: {  	s3 =	sand.u32 $0x4000, s31;
	s1 =	sadd.s32 s1, s30  }
0xbe: {  	s0 =	sor.u32 s3, s0;
	s1 =	sshll.u32 s1, $0x11  }
0xbf: {  	s0 =	sor.u32 s1, s0  }
0xc0: {  	s0 =	sadd.s32 $0x8F2B, s0  }
0xc1: {  	[sflag:s0] =	ssyncadd.remote.s32 $0x1  }
0xc2: {  	_ =	sfence.sel $0xFFFF  }
0xc3: {  	[dreg:$0x0] =	wrdreg $0xFFFFFFFF;
	(pc) =	sbr.abs _section_cstart, $3  }
0xc4: {  	[dreg:$0x1] =	wrdreg $0xFFFFFFFF  }
0xc5: {  	_ =	task.clear_ibuf [dreg:s9], $0x2FFFF;
	_ =	strace $0x9FFFFFFF  }
0xc6: {  	(tm) =	ssettm $0x7FFFFFFF  }
0xc7: {  	_ =	shalt  }
tec
execute0_lowered:
.L_overlay_start_1:
0x0: {  	(tag) =	ssettag $0x1  }
0x1: {  	s3 =	rddreg [dreg:$0x0]  }
0x2: {  	s4 =	rddreg [dreg:$0x1]  }
0x3: {  	s5 =	rddreg [dreg:$0x2]  }
0x4: {  	s6 =	rddreg [dreg:$0x3]  }
0x5: {  	s0 =	rddreg [dreg:$0x4]  }
0x6: {  	s2 =	simm.s32 $0x0;
	s7 =	srdreg.scid;
	s1 =	stileid.u32  }
0x7: {  	s11 =	simm.s32 $0x400;
	s12 =	simm.s32 $0x600;
	s13 =	simm.s32 $0x480  }
0x8: {  	s14 =	simm.s32 $0x680;
	s15 =	simm.s32 $0x500;
	s16 =	simm.s32 $0x700  }
0x9: {  	s17 =	simm.s32 $0x580;
	s18 =	simm.s32 $0x780;
	s19 =	simm.s32 $0x2  }
0xa: {  	s20 =	simm.s32 $0x3;
	[smem:$0x7FF] =	sst s2;
	s7 =	sand.u32 $0x1, s7  }
0xb: {  	s9 =	sshll.u32 s1, $0x7;
	s3 =	sadd.s32 $0xC00, s3;
	s8 =	ssub.s32 $0x2, s7  }
0xc: {  	_ =	strace $0x80000047;
	s7 =	sshll.u32 s7, $0x6;
	s10 =	sshrl.u32 s8, $0x1  }
0xd: {  	s7 =	sor.u32 s7, s9;
	s9 =	simm.s32 $0x1;
	s8 =	ssub.s32 s8, s10  }
0xe: {  	s4 =	sadd.s32 s4, s7;
	s5 =	sadd.s32 s5, s7;
	s6 =	sadd.s32 s6, s7  }
0xf: {  	s10 =	simm.s32 $0x80;
	s7 =	smax.u32 s8, $0x1;
	s8 =	simm.s32 $0x200  }
.LBB2_1:
0x10: {  	[tilespmem:s2], [sflag:$0x1] =	stream.linear.gather [hbm4b:s4+s2], $0x200, $0x38;
	[tilespmem:$0x800] =	vst v63  }
0x11: {  	_ = 	snop  }
0x12: {  	[tilespmem:s8], [sflag:$0x1] =	stream.linear.gather [hbm4b:s5+s2], $0x200, $0x38;
	[tilespmem:$0x800] =	vst v63  }
0x13: {  	_ =	swait.ge [sflag:s9], $0x200  }
0x14: {  	[sflag:s9] =	ssyncset.done $0x0  }
0x15: {  	[sflag:s9] =	ssyncadd.s32 $0xFFFFFE00  }
0x16: {  	_ =	swait.ge [sflag:s9], $0x200  }
0x17: {  	[sflag:s9] =	ssyncset.done $0x0  }
0x18: {  	[sflag:s9] =	ssyncadd.s32 $0xFFFFFE00  }
0x19: {  	v0 =	vld [tilespmem:$0x200]  }
0x1a: {  	v1 =	vld [tilespmem:$0x210]  }
0x1b: {  	v2 =	vld [tilespmem:$0x0]  }
0x1c: {  	v3 =	vld [tilespmem:$0x10]  }
0x1d: {  	v4 =	vld [tilespmem:$0x220]  }
0x1e: {  	v6 =	vld [tilespmem:$0x230]  }
0x1f: {  	v8 =	vld [tilespmem:$0x20]  }
0x20: {  	v9 =	vld [tilespmem:$0x30]  }
0x21: {  	v49 =	vld [tilespmem:$0x240]  }
0x22: {  	v52 =	vld [tilespmem:$0x250]  }
0x23: {  	v11 =	vld [tilespmem:$0x40]  }
0x24: {  	v55 =	vld [tilespmem:$0x50]  }
0x25: {  	v58 =	vld [tilespmem:$0x260];
	v5 =	vshrl.u32 v0, $0x7;
	v7 =	vshrl.u32 v1, $0x7;
	v2 =	vshll.u32 v2, $0x7  }
0x26: {  	v61 =	vld [tilespmem:$0x270];
	v0 =	vand.u32 $0x7F, v0;
	v3 =	vshll.u32 v3, $0x7;
	v51 =	vshrl.u32 v4, $0x7  }
0x27: {  	v16 =	vld [tilespmem:$0x70];
	v1 =	vand.u32 $0x7F, v1;
	v10 =	vshrl.u32 v6, $0x7;
	v53 =	vshll.u32 v8, $0x7  }
0x28: {  	v56 =	vand.u32 $0x7F, v4;
	v57 =	vshll.u32 v9, $0x7;
	v60 =	vshrl.u32 v49, $0x7  }
0x29: {  	v6 =	vand.u32 $0x7F, v6;
	v12 =	vshrl.u32 v52, $0x7;
	v62 =	vshll.u32 v11, $0x7  }
0x2a: {  	v18 =	vand.u32 $0x7F, v49;
	v19 =	vshll.u32 v55, $0x7;
	v21 =	vshrl.u32 v58, $0x7  }
0x2b: {  	v22 =	vand.u32 $0x7F, v52;
	v23 =	vshrl.u32 v61, $0x7;
	v5 =	vmul.u32 $0x1F400, v5  }
0x2c: {  	v28 =	vshll.u32 v16, $0x7;
	v30 =	vand.u32 $0x7F, v61;
	v7 =	vmul.u32 $0x1F400, v7  }
0x2d: {  	v54 =	vmul.u32 $0x1F400, v10;
	v25 =	vmul.u32 $0x1F400, v23;
	v2 =	vadd.s32 v2, v5  }
0x2e: {  	v13 =	vld [tilespmem:$0x60];
	v4 =	vmul.u32 $0x1F400, v60;
	v50 =	vadd.s32 v3, v7;
	v0 =	vor.u32 v0, v2  }
0x2f: {  	v3 =	vmul.u32 $0x1F400, v51;
	v29 =	vadd.s32 v28, v25;
	v1 =	vor.u32 v1, v50;
	[tilespmem:$0x400] =	vst v0  }
0x30: {  	v63 =	vmul.u32 $0x1F400, v12;
	v59 =	vadd.s32 v57, v54;
	v31 =	vor.u32 v30, v29;
	[tilespmem:$0x410] =	vst v1  }
0x31: {  	v17 =	vadd.s32 v62, v4;
	v2 =	vadd.s32 v53, v3;
	v3 =	vor.u32 v6, v59;
	[tilespmem:$0x470] =	vst v31  }
0x32: {  	v20 =	vadd.s32 v19, v63;
	v4 =	vmul.u32 $0x1F400, v21;
	v0 =	vor.u32 v18, v17;
	[tilespmem:$0x430] =	vst v3  }
0x33: {  	v24 =	vshll.u32 v13, $0x7;
	v1 =	vor.u32 v22, v20;
	[tilespmem:$0x440] =	vst v0  }
0x34: {  	v27 =	vand.u32 $0x7F, v58;
	v26 =	vadd.s32 v24, v4;
	v2 =	vor.u32 v56, v2;
	[tilespmem:$0x450] =	vst v1  }
0x35: {  	v0 =	vor.u32 v27, v26;
	[tilespmem:$0x420] =	vst v2  }
0x36: {  	[tilespmem:$0x460] =	vst v0  }
0x37: {  	[tilespmem:s12], [sflag:$0x2] =	stream.indirect.gather [hbm4b:s3+s10], $0x1, s11, s10, $0xb8;
	[tilespmem:$0x800] =	vst v63  }
0x38: {  	v32 =	vld [tilespmem:$0x280]  }
0x39: {  	v33 =	vld [tilespmem:$0x290]  }
0x3a: {  	v34 =	vld [tilespmem:$0x80]  }
0x3b: {  	v35 =	vld [tilespmem:$0x90]  }
0x3c: {  	v36 =	vld [tilespmem:$0x2A0]  }
0x3d: {  	v38 =	vld [tilespmem:$0x2B0]  }
0x3e: {  	v40 =	vld [tilespmem:$0xA0]  }
0x3f: {  	v41 =	vld [tilespmem:$0xB0]  }
0x40: {  	v42 =	vld [tilespmem:$0x2C0]  }
0x41: {  	v45 =	vld [tilespmem:$0x2D0]  }
0x42: {  	v47 =	vld [tilespmem:$0xC0]  }
0x43: {  	v50 =	vld [tilespmem:$0xD0]  }
0x44: {  	v53 =	vld [tilespmem:$0x2E0];
	v37 =	vshrl.u32 v32, $0x7;
	v39 =	vshrl.u32 v33, $0x7  }
0x45: {  	v56 =	vld [tilespmem:$0x2F0];
	v2 =	vshll.u32 v34, $0x7;
	v0 =	vand.u32 $0x7F, v32;
	v3 =	vshll.u32 v35, $0x7  }
0x46: {  	v61 =	vld [tilespmem:$0xF0];
	v44 =	vshrl.u32 v36, $0x7;
	v1 =	vand.u32 $0x7F, v33;
	v46 =	vshrl.u32 v38, $0x7  }
0x47: {  	v48 =	vshll.u32 v40, $0x7;
	v52 =	vshll.u32 v41, $0x7;
	v55 =	vshrl.u32 v42, $0x7  }
0x48: {  	v6 =	vand.u32 $0x7F, v38;
	v57 =	vshrl.u32 v45, $0x7;
	v59 =	vshll.u32 v47, $0x7  }
0x49: {  	v63 =	vand.u32 $0x7F, v42;
	v14 =	vshll.u32 v50, $0x7;
	v16 =	vshrl.u32 v53, $0x7  }
0x4a: {  	v17 =	vand.u32 $0x7F, v45;
	v18 =	vshrl.u32 v56, $0x7;
	v5 =	vmul.u32 $0x1F400, v37  }
0x4b: {  	v23 =	vshll.u32 v61, $0x7;
	v25 =	vand.u32 $0x7F, v56;
	v7 =	vmul.u32 $0x1F400, v39  }
0x4c: {  	v49 =	vmul.u32 $0x1F400, v46;
	v20 =	vmul.u32 $0x1F400, v18;
	v2 =	vadd.s32 v2, v5  }
0x4d: {  	v58 =	vld [tilespmem:$0xE0];
	v4 =	vmul.u32 $0x1F400, v55;
	v43 =	vadd.s32 v3, v7;
	v0 =	vor.u32 v0, v2  }
0x4e: {  	v3 =	vmul.u32 $0x1F400, v44;
	v24 =	vadd.s32 v23, v20;
	v1 =	vor.u32 v1, v43;
	[tilespmem:$0x480] =	vst v0  }
0x4f: {  	v60 =	vmul.u32 $0x1F400, v57;
	v54 =	vadd.s32 v52, v49;
	v26 =	vor.u32 v25, v24;
	[tilespmem:$0x490] =	vst v1  }
0x50: {  	v62 =	vadd.s32 v59, v4;
	v2 =	vadd.s32 v48, v3;
	v3 =	vor.u32 v6, v54;
	[tilespmem:$0x4F0] =	vst v26  }
0x51: {  	v15 =	vadd.s32 v14, v60;
	v4 =	vmul.u32 $0x1F400, v16;
	v0 =	vor.u32 v63, v62;
	[tilespmem:$0x4B0] =	vst v3  }
0x52: {  	v51 =	vand.u32 $0x7F, v36;
	v19 =	vshll.u32 v58, $0x7;
	v1 =	vor.u32 v17, v15;
	[tilespmem:$0x4C0] =	vst v0  }
0x53: {  	v22 =	vand.u32 $0x7F, v53;
	v21 =	vadd.s32 v19, v4;
	v2 =	vor.u32 v51, v2;
	[tilespmem:$0x4D0] =	vst v1  }
0x54: {  	v0 =	vor.u32 v22, v21;
	[tilespmem:$0x4A0] =	vst v2  }
0x55: {  	[tilespmem:$0x4E0] =	vst v0  }
0x56: {  	[tilespmem:s14], [sflag:$0x2] =	stream.indirect.gather [hbm4b:s3+s10], $0x1, s13, s10, $0xb8;
	[tilespmem:$0x800] =	vst v63  }
0x57: {  	v27 =	vld [tilespmem:$0x300]  }
0x58: {  	v28 =	vld [tilespmem:$0x310]  }
0x59: {  	v29 =	vld [tilespmem:$0x100]  }
0x5a: {  	v30 =	vld [tilespmem:$0x110]  }
0x5b: {  	v31 =	vld [tilespmem:$0x320]  }
0x5c: {  	v33 =	vld [tilespmem:$0x330]  }
0x5d: {  	v35 =	vld [tilespmem:$0x120]  }
0x5e: {  	v36 =	vld [tilespmem:$0x130]  }
0x5f: {  	v37 =	vld [tilespmem:$0x340]  }
0x60: {  	v40 =	vld [tilespmem:$0x350]  }
0x61: {  	v42 =	vld [tilespmem:$0x140]  }
0x62: {  	v45 =	vld [tilespmem:$0x150]  }
0x63: {  	v48 =	vld [tilespmem:$0x360];
	v32 =	vshrl.u32 v27, $0x7;
	v34 =	vshrl.u32 v28, $0x7  }
0x64: {  	v51 =	vld [tilespmem:$0x370];
	v2 =	vshll.u32 v29, $0x7;
	v0 =	vand.u32 $0x7F, v27;
	v3 =	vshll.u32 v30, $0x7  }
0x65: {  	v56 =	vld [tilespmem:$0x170];
	v39 =	vshrl.u32 v31, $0x7;
	v1 =	vand.u32 $0x7F, v28;
	v41 =	vshrl.u32 v33, $0x7  }
0x66: {  	v43 =	vshll.u32 v35, $0x7;
	v47 =	vshll.u32 v36, $0x7;
	v50 =	vshrl.u32 v37, $0x7  }
0x67: {  	v6 =	vand.u32 $0x7F, v33;
	v52 =	vshrl.u32 v40, $0x7;
	v54 =	vshll.u32 v42, $0x7  }
0x68: {  	v58 =	vand.u32 $0x7F, v37;
	v59 =	vshll.u32 v45, $0x7;
	v61 =	vshrl.u32 v48, $0x7  }
0x69: {  	v62 =	vand.u32 $0x7F, v40;
	v63 =	vshrl.u32 v51, $0x7;
	v5 =	vmul.u32 $0x1F400, v32  }
0x6a: {  	v15 =	vshll.u32 v56, $0x7;
	v17 =	vand.u32 $0x7F, v51;
	v7 =	vmul.u32 $0x1F400, v34  }
0x6b: {  	v44 =	vmul.u32 $0x1F400, v41;
	v11 =	vmul.u32 $0x1F400, v63;
	v2 =	vadd.s32 v2, v5  }
0x6c: {  	v53 =	vld [tilespmem:$0x160];
	v4 =	vmul.u32 $0x1F400, v50;
	v38 =	vadd.s32 v3, v7;
	v0 =	vor.u32 v0, v2  }
0x6d: {  	v3 =	vmul.u32 $0x1F400, v39;
	v16 =	vadd.s32 v15, v11;
	v1 =	vor.u32 v1, v38;
	[tilespmem:$0x500] =	vst v0  }
0x6e: {  	v55 =	vmul.u32 $0x1F400, v52;
	v49 =	vadd.s32 v47, v44;
	v18 =	vor.u32 v17, v16;
	[tilespmem:$0x510] =	vst v1  }
0x6f: {  	v57 =	vadd.s32 v54, v4;
	v2 =	vadd.s32 v43, v3;
	v3 =	vor.u32 v6, v49;
	[tilespmem:$0x570] =	vst v18  }
0x70: {  	v60 =	vadd.s32 v59, v55;
	v4 =	vmul.u32 $0x1F400, v61;
	v0 =	vor.u32 v58, v57;
	[tilespmem:$0x530] =	vst v3  }
0x71: {  	v46 =	vand.u32 $0x7F, v31;
	v10 =	vshll.u32 v53, $0x7;
	v1 =	vor.u32 v62, v60;
	[tilespmem:$0x540] =	vst v0  }
0x72: {  	v14 =	vand.u32 $0x7F, v48;
	v13 =	vadd.s32 v10, v4;
	v2 =	vor.u32 v46, v2;
	[tilespmem:$0x550] =	vst v1  }
0x73: {  	v0 =	vor.u32 v14, v13;
	[tilespmem:$0x520] =	vst v2  }
0x74: {  	[tilespmem:$0x560] =	vst v0  }
0x75: {  	[tilespmem:s16], [sflag:$0x2] =	stream.indirect.gather [hbm4b:s3+s10], $0x1, s15, s10, $0xb8;
	[tilespmem:$0x800] =	vst v63  }
0x76: {  	v19 =	vld [tilespmem:$0x380]  }
0x77: {  	v20 =	vld [tilespmem:$0x390]  }
0x78: {  	v21 =	vld [tilespmem:$0x180]  }
0x79: {  	v22 =	vld [tilespmem:$0x190]  }
0x7a: {  	v23 =	vld [tilespmem:$0x3A0]  }
0x7b: {  	v25 =	vld [tilespmem:$0x3B0]  }
0x7c: {  	v27 =	vld [tilespmem:$0x1A0]  }
0x7d: {  	v28 =	vld [tilespmem:$0x1B0]  }
0x7e: {  	v29 =	vld [tilespmem:$0x3C0]  }
0x7f: {  	v32 =	vld [tilespmem:$0x3D0]  }
0x80: {  	v34 =	vld [tilespmem:$0x1C0]  }
0x81: {  	v37 =	vld [tilespmem:$0x1D0]  }
0x82: {  	v40 =	vld [tilespmem:$0x3E0];
	v24 =	vshrl.u32 v19, $0x7;
	v26 =	vshrl.u32 v20, $0x7  }
0x83: {  	v43 =	vld [tilespmem:$0x3F0];
	v2 =	vshll.u32 v21, $0x7;
	v0 =	vand.u32 $0x7F, v19;
	v3 =	vshll.u32 v22, $0x7  }
0x84: {  	v48 =	vld [tilespmem:$0x1F0];
	v31 =	vshrl.u32 v23, $0x7;
	v1 =	vand.u32 $0x7F, v20;
	v33 =	vshrl.u32 v25, $0x7  }
0x85: {  	v35 =	vshll.u32 v27, $0x7;
	v39 =	vshll.u32 v28, $0x7;
	v42 =	vshrl.u32 v29, $0x7  }
0x86: {  	v6 =	vand.u32 $0x7F, v25;
	v44 =	vshrl.u32 v32, $0x7;
	v46 =	vshll.u32 v34, $0x7  }
0x87: {  	v50 =	vand.u32 $0x7F, v29;
	v51 =	vshll.u32 v37, $0x7;
	v53 =	vshrl.u32 v40, $0x7  }
0x88: {  	v54 =	vand.u32 $0x7F, v32;
	v55 =	vshrl.u32 v43, $0x7;
	v5 =	vmul.u32 $0x1F400, v24  }
0x89: {  	v60 =	vshll.u32 v48, $0x7;
	v62 =	vand.u32 $0x7F, v43;
	v7 =	vmul.u32 $0x1F400, v26  }
0x8a: {  	v36 =	vmul.u32 $0x1F400, v33;
	v57 =	vmul.u32 $0x1F400, v55;
	v2 =	vadd.s32 v2, v5  }
0x8b: {  	v45 =	vld [tilespmem:$0x1E0];
	v4 =	vmul.u32 $0x1F400, v42;
	v30 =	vadd.s32 v3, v7;
	v0 =	vor.u32 v0, v2  }
0x8c: {  	v3 =	vmul.u32 $0x1F400, v31;
	v61 =	vadd.s32 v60, v57;
	v1 =	vor.u32 v1, v30;
	[tilespmem:$0x580] =	vst v0  }
0x8d: {  	v47 =	vmul.u32 $0x1F400, v44;
	v41 =	vadd.s32 v39, v36;
	v63 =	vor.u32 v62, v61;
	[tilespmem:$0x590] =	vst v1  }
0x8e: {  	v49 =	vadd.s32 v46, v4;
	v2 =	vadd.s32 v35, v3;
	v3 =	vor.u32 v6, v41;
	[tilespmem:$0x5F0] =	vst v63  }
0x8f: {  	v52 =	vadd.s32 v51, v47;
	v4 =	vmul.u32 $0x1F400, v53;
	v0 =	vor.u32 v50, v49;
	[tilespmem:$0x5B0] =	vst v3  }
0x90: {  	v38 =	vand.u32 $0x7F, v23;
	v56 =	vshll.u32 v45, $0x7;
	v1 =	vor.u32 v54, v52;
	[tilespmem:$0x5C0] =	vst v0  }
0x91: {  	v59 =	vand.u32 $0x7F, v40;
	v58 =	vadd.s32 v56, v4;
	v2 =	vor.u32 v38, v2;
	[tilespmem:$0x5D0] =	vst v1  }
0x92: {  	v0 =	vor.u32 v59, v58;
	[tilespmem:$0x5A0] =	vst v2  }
0x93: {  	[tilespmem:$0x5E0] =	vst v0  }
0x94: {  	[tilespmem:s18], [sflag:$0x2] =	stream.indirect.gather [hbm4b:s3+s10], $0x1, s17, s10, $0xb8;
	[tilespmem:$0x800] =	vst v63  }
0x95: {  	_ =	swait.ge [sflag:s19], $0x80  }
0x96: {  	[sflag:s19] =	ssyncset.done $0x0  }
0x97: {  	[sflag:s19] =	ssyncadd.s32 $0xFFFFFF80  }
0x98: {  	_ =	swait.ge [sflag:s19], $0x80  }
0x99: {  	[sflag:s19] =	ssyncset.done $0x0  }
0x9a: {  	[sflag:s19] =	ssyncadd.s32 $0xFFFFFF80  }
0x9b: {  	_ =	swait.ge [sflag:s19], $0x80  }
0x9c: {  	[sflag:s19] =	ssyncset.done $0x0  }
0x9d: {  	[sflag:s19] =	ssyncadd.s32 $0xFFFFFF80  }
0x9e: {  	_ =	swait.ge [sflag:s19], $0x80  }
0x9f: {  	p0 =	sne.s32 s7, $0x1;
	[sflag:s19] =	ssyncset.done $0x0  }
.Ltmp0:
0xa0: {  	[sflag:s19] =	ssyncadd.s32 $0xFFFFFF80;
	(pc) =	sbr.rel @p0 .LBB2_1-.Ltmp0, $4  }
0xa1: {  	[hbm4b:s6+s2] =	stream.linear.scatter [tilespmem:s12], [sflag:$0x3], $0x200, $0x38;
	[tilespmem:$0x800] =	vst v63  }
0xa2: {  	_ =	swait.ge [sflag:s20], $0x200  }
0xa3: {  	[sflag:s20] =	ssyncset.done $0x0  }
0xa4: {  	s7 =	sadd.s32 $0xFFFFFFFF, s7;
	[sflag:s20] =	ssyncadd.s32 $0xFFFFFE00  }
0xa5: {  	_ =	sfence.sel $0x180000  }
0xa6: {  	[bflag:$0x0] =	sbarrier.arrive $0xFFFF  }
0xa7: {  	p0 =	sne.s32 s1, $0x0;
	_ =	strace $0x90000047  }
0xa8: {  	s0 =	sadd.s32 @!p0 $0x100000, s0;
	[bflag:$0x2] =	sbarrier.arrive $0xFFFF  }
0xa9: {  	[sflag:s0] =	ssyncadd.tile.s32 @!p0 $0x1;
	_ =	shalt  }
.Lfunc_end2:
_tile_overlayer_lowered:
.L_overlay_start_2:
0xaa: {  	(tag) =	ssettag $0x2  }
0xab: {  	s0 =	rddreg [dreg:$0x0];
	s2 =	stileid.u32  }
0xac: {  	s1 =	rddreg [dreg:$0x1];
	p0 =	sne.s32 s2, $0x0  }
0xad: {  	s3 =	rddreg [dreg:$0x2];
	[bflag:$0x3] =	sbarrier.arrive $0xFFFF;
	s2 =	simm.s32 @!p0 $0x1C03  }
0xae: {  	[timem:s3], [sflag:s2] =	dma.local @!p0 [hbm:s0], s1  }
0xaf: {  	s0 =	simm.s32 @!p0 $0x3  }
0xb0: {  	_ =	swait.ge @!p0 [sflag:s0], s1  }
0xb1: {  	s1 =	ssub.s32 @!p0 $0x0, s1;
	[sflag:s0] =	ssyncset.done @!p0 $0x0  }
0xb2: {  	[sflag:s0] =	ssyncadd.s32 @!p0 s1  }
0xb3: {  	[bflag:$0x3] =	sbarrier.arrive $0xFFFF  }
0xb4: {  	_ =	shalt  }

</sc_bundles>
